<compile_context>
chip_gen: v7x
topology: tpu7x:2x2x1
jax: 0.10.2.dev20260603
libtpu: 0.0.44.dev20260713+nightly
codegen_flags: <defaults>
</compile_context>

<pallas_src>
import functools

import jax
import jax.numpy as jnp
from jax import lax
from jax.experimental import pallas as pl
from jax.experimental.pallas import tpu as pltpu
from jax.experimental.pallas import tpu_sc as plsc


_VBLK = 1 << 15


def _rowdot_body(weT_ref, wmT_ref, out_ref):
    out_ref[...] = jnp.sum(weT_ref[...] * wmT_ref[...], axis=0)


def _rowdot(we, wm):
    n, d = we.shape
    grid = pl.cdiv(n, _VBLK)
    return pl.pallas_call(
        _rowdot_body,
        grid=(grid,),
        in_specs=[
            pl.BlockSpec((d, _VBLK), lambda i: (0, i)),
            pl.BlockSpec((d, _VBLK), lambda i: (0, i)),
        ],
        out_specs=pl.BlockSpec((_VBLK,), lambda i: (i,)),
        out_shape=jax.ShapeDtypeStruct((grid * _VBLK,), jnp.float32),
    )(we.T, wm.T)



_CHUNK = 12800


@functools.cache
def _make_gather(n_idx):
    info = plsc.get_sparse_core_info()
    nc, ns = info.num_cores, info.num_subcores
    nw = nc * ns
    per_w = n_idx // nw
    n_ch = per_w // _CHUNK
    mesh = plsc.VectorSubcoreMesh(core_axis_name="c", subcore_axis_name="s")

    @functools.partial(
        pl.kernel,
        mesh=mesh,
        out_type=jax.ShapeDtypeStruct((n_idx,), jnp.float32),
        scratch_types=[
            pltpu.VMEM((_CHUNK,), jnp.int32),
            pltpu.VMEM((_CHUNK,), jnp.float32),
            pltpu.SemaphoreType.DMA,
        ],
    )
    def gather_k(rowdot_hbm, xf_hbm, out_hbm, idx_v, val_v, sem):
        wid = lax.axis_index("s") * nc + lax.axis_index("c")
        base = wid * per_w

        def body(i, carry):
            off = base + i * _CHUNK
            pltpu.sync_copy(xf_hbm.at[pl.ds(off, _CHUNK)], idx_v)
            pltpu.async_copy(rowdot_hbm.at[idx_v], val_v, sem).wait()
            pltpu.sync_copy(val_v, out_hbm.at[pl.ds(off, _CHUNK)])
            return carry

        lax.fori_loop(0, n_ch, body, 0)

    return gather_k


def kernel(x, W_embed, W_masks):
    rowdot = _rowdot(W_embed, W_masks)
    xf = x.T.reshape(-1)
    out = _make_gather(xf.shape[0])(rowdot, xf)
    return out.reshape(x.shape[1], x.shape[0]).T

# --- scband reference (transcript-rebuilt; emitter-appended) ---
"""Pipeline reference for scband-input-encoder-42425686950303 (READ-ONLY COPY).

The authoritative reference and input builder live on the scoring server;
editing this copy changes nothing except your own understanding.
"""

import jax, jax.numpy as jnp
import numpy as np

VOCAB = 1000000
EMBED_DIM = 32
BATCH = 16384
HIST = 200

def setup_inputs(seed: int = 0) -> dict:
    key = jax.random.key(seed)
    x = jax.random.randint(key, (BATCH, HIST), 0, VOCAB, dtype=jnp.int32)
    # Module fills both embedding tables with 1.0 (padding_idx=0 only affects grads)
    W_embed = jnp.ones((VOCAB, EMBED_DIM), dtype=jnp.float32)
    W_masks = jnp.ones((VOCAB, EMBED_DIM), dtype=jnp.float32)
    return {"x": x, "W_embed": W_embed, "W_masks": W_masks}

def reference(x, W_embed, W_masks):
    # embedx = self.embed(x) ; maskx = self.masks(x)
    embedx = jnp.take(W_embed, x, axis=0)   # [B, L, D]
    maskx = jnp.take(W_masks, x, axis=0)    # [B, L, D]
    # torch.sum(torch.mul(maskx, embedx), 2) -> sum over embedding dim
    return jnp.sum(maskx * embedx, axis=2)  # [B, L]

if __name__ == "__main__":
    import jax
    _d = setup_inputs()
    print(jax.jit(kernel)(*tuple(_d.values())))

</pallas_src>

<mosaic_0001>
#map = affine_map<(d0, d1) -> (0)>
module attributes {stable_mosaic.version = 14 : i64} {
  func.func @gather_k(%arg0: i32, %arg1: i32, %arg2: memref<1015808xf32, #tpu.memory_space<hbm>>, %arg3: memref<3276800xi32, #tpu.memory_space<hbm>>, %arg4: memref<3276800xf32, #tpu.memory_space<hbm>>, %arg5: memref<12800xi32, #tpu.memory_space<vmem>>, %arg6: memref<12800xf32, #tpu.memory_space<vmem>>, %arg7: memref<!tpu.dma_semaphore, #tpu.memory_space<semaphore_mem>>) attributes {dimension_semantics = [#tpu.dimension_semantics<core_parallel>, #tpu.dimension_semantics<subcore_parallel>], iteration_bounds = array<i64: 2, 16>, scalar_prefetch = 0 : i64, scratch_operands = 3 : i64, tpu.core_type = #tpu.core_type<sc_vector_subcore>, window_params = [{transform_indices = #map}, {transform_indices = #map}, {transform_indices = #map}]} {
    %mul3A = arith.constant 2 : i32
    %mul3A_0 = arith.muli %arg1, %mul3A : i32
    %add3A = arith.addi %mul3A_0, %arg0 : i32
    %mul3A_1 = arith.constant 102400 : i32
    %mul3A_2 = arith.muli %add3A, %mul3A_1 : i32
    %scan3A = arith.constant 0 : i32
    %scan3A_3 = arith.constant 0 : i32
    %scan3A_4 = arith.constant 8 : i32
    %scan3A_5 = arith.addi %scan3A_3, %scan3A_4 : i32
    %scan3A_6 = arith.constant 1 : i32
    scf.for %scan3A_8 = %scan3A_3 to %scan3A_5 step %scan3A_6  : i32 {
      %mul3A_9 = arith.constant 12800 : i32
      %mul3A_10 = arith.muli %scan3A_8, %mul3A_9 : i32
      %add3A_11 = arith.addi %mul3A_2, %mul3A_10 : i32
      "tpu.region"() ({
        %run_scoped3A = tpu.sem_alloc : memref<!tpu.dma_semaphore, #tpu.memory_space<semaphore_mem>>
        %dma_start3A_14 = tpu.memref_slice %arg3[%add3A_11] : memref<3276800xi32, #tpu.memory_space<hbm>> -> memref<12800xi32, #tpu.memory_space<hbm>>
        %dma_start3A_15 = tpu.memref_slice %arg3[%add3A_11] : memref<3276800xi32, #tpu.memory_space<hbm>> -> memref<12800xi32, #tpu.memory_space<hbm>>
        tpu.enqueue_dma source(%dma_start3A_15 : memref<12800xi32, #tpu.memory_space<hbm>>) target(%arg5 : memref<12800xi32, #tpu.memory_space<vmem>>) target_semaphore(%run_scoped3A : memref<!tpu.dma_semaphore, #tpu.memory_space<semaphore_mem>>)
        %dma_wait3A_16 = tpu.memref_slice %arg3[%add3A_11] : memref<3276800xi32, #tpu.memory_space<hbm>> -> memref<12800xi32, #tpu.memory_space<hbm>>
        %dma_wait3A_17 = tpu.memref_slice %arg3[%add3A_11] : memref<3276800xi32, #tpu.memory_space<hbm>> -> memref<12800xi32, #tpu.memory_space<hbm>>
        tpu.wait_dma2 semaphore(%run_scoped3A : memref<!tpu.dma_semaphore, #tpu.memory_space<semaphore_mem>>) src(%dma_wait3A_17 : memref<12800xi32, #tpu.memory_space<hbm>>) dst(%arg5 : memref<12800xi32, #tpu.memory_space<vmem>>)
        tpu.yield
      }) : () -> ()
      %dma_start3A = arith.constant 0 : i32
      %dma_start3A_12 = tpu.memref_slice %arg2[%dma_start3A] : memref<1015808xf32, #tpu.memory_space<hbm>> -> memref<1015808xf32, #tpu.memory_space<hbm>>
      tpu.enqueue_indirect_dma source(%dma_start3A_12 : memref<1015808xf32, #tpu.memory_space<hbm>>) target(%arg6 : memref<12800xf32, #tpu.memory_space<vmem>>) offsets(%arg5 : memref<12800xi32, #tpu.memory_space<vmem>>) semaphore(%arg7 : memref<!tpu.dma_semaphore, #tpu.memory_space<semaphore_mem>>)
      %dma_wait3A = arith.constant 0 : i32
      %dma_wait3A_13 = tpu.memref_slice %arg2[%dma_wait3A] : memref<1015808xf32, #tpu.memory_space<hbm>> -> memref<1015808xf32, #tpu.memory_space<hbm>>
      tpu.wait_indirect_dma semaphore(%arg7 : memref<!tpu.dma_semaphore, #tpu.memory_space<semaphore_mem>>) src(%dma_wait3A_13 : memref<1015808xf32, #tpu.memory_space<hbm>>) dst(%arg6 : memref<12800xf32, #tpu.memory_space<vmem>>)
      "tpu.region"() ({
        %run_scoped3A = tpu.sem_alloc : memref<!tpu.dma_semaphore, #tpu.memory_space<semaphore_mem>>
        %dma_start3A_14 = tpu.memref_slice %arg4[%add3A_11] : memref<3276800xf32, #tpu.memory_space<hbm>> -> memref<12800xf32, #tpu.memory_space<hbm>>
        %dma_start3A_15 = tpu.memref_slice %arg4[%add3A_11] : memref<3276800xf32, #tpu.memory_space<hbm>> -> memref<12800xf32, #tpu.memory_space<hbm>>
        tpu.enqueue_dma source(%arg6 : memref<12800xf32, #tpu.memory_space<vmem>>) target(%dma_start3A_15 : memref<12800xf32, #tpu.memory_space<hbm>>) target_semaphore(%run_scoped3A : memref<!tpu.dma_semaphore, #tpu.memory_space<semaphore_mem>>)
        %dma_wait3A_16 = tpu.memref_slice %arg4[%add3A_11] : memref<3276800xf32, #tpu.memory_space<hbm>> -> memref<12800xf32, #tpu.memory_space<hbm>>
        %dma_wait3A_17 = tpu.memref_slice %arg4[%add3A_11] : memref<3276800xf32, #tpu.memory_space<hbm>> -> memref<12800xf32, #tpu.memory_space<hbm>>
        tpu.wait_dma2 semaphore(%run_scoped3A : memref<!tpu.dma_semaphore, #tpu.memory_space<semaphore_mem>>) src(%arg6 : memref<12800xf32, #tpu.memory_space<vmem>>) dst(%dma_wait3A_17 : memref<12800xf32, #tpu.memory_space<hbm>>)
        tpu.yield
      }) : () -> ()
    }
    %scan3A_7 = arith.constant 8 : i32
    return
  }
}

module attributes {stable_mosaic.version = 14 : i64} {
  func.func @_rowdot_body(%arg0: i32, %arg1: memref<32x32768xf32, #tpu.memory_space<vmem>>, %arg2: memref<32x32768xf32, #tpu.memory_space<vmem>>, %arg3: memref<32768xf32, #tpu.memory_space<vmem>>) attributes {dimension_semantics = [#tpu.dimension_semantics<arbitrary>], iteration_bounds = array<i64: 31>, scalar_prefetch = 0 : i64, scratch_operands = 0 : i64, tpu.core_type = #tpu.core_type<tc>, window_params = [{transform_indices = @transform_0, window_bounds = array<i64: 32, 32768>}, {transform_indices = @transform_1, window_bounds = array<i64: 32, 32768>}, {transform_indices = @transform_2, window_bounds = array<i64: 32768>}]} {
    %get3A = arith.constant 0 : index
    %get3A_0 = arith.constant 0 : index
    %get3A_1 = vector.load %arg1[%get3A, %get3A_0] : memref<32x32768xf32, #tpu.memory_space<vmem>>, vector<32x32768xf32>
    %get3A_2 = arith.constant 0 : index
    %get3A_3 = arith.constant 0 : index
    %get3A_4 = vector.load %arg2[%get3A_2, %get3A_3] : memref<32x32768xf32, #tpu.memory_space<vmem>>, vector<32x32768xf32>
    %mul3A = arith.mulf %get3A_1, %get3A_4 : vector<32x32768xf32>
    %reduce_sum3A = arith.constant dense<0.000000e+00> : vector<32768xf32>
    %reduce_sum3A_5 = vector.multi_reduction <add>, %mul3A, %reduce_sum3A [0] : vector<32x32768xf32> to vector<32768xf32>
    %swap3A = arith.constant 0 : index
    %swap3A_6 = vector.load %arg3[%swap3A] : memref<32768xf32, #tpu.memory_space<vmem>>, vector<32768xf32>
    tpu.vector_store %arg3[%swap3A], %reduce_sum3A_5 {strides = array<i32>} : memref<32768xf32, #tpu.memory_space<vmem>>, vector<32768xf32>,
    return
  }
  func.func @transform_0(%arg0: i32) -> (i32, i32) {
    %c0_i32 = arith.constant 0 : i32
    %c0_i32_0 = arith.constant 0 : i32
    return %c0_i32, %arg0 : i32, i32
  }
  func.func @transform_1(%arg0: i32) -> (i32, i32) {
    %c0_i32 = arith.constant 0 : i32
    %c0_i32_0 = arith.constant 0 : i32
    return %c0_i32, %arg0 : i32, i32
  }
  func.func @transform_2(%arg0: i32) -> i32 {
    %c0_i32 = arith.constant 0 : i32
    return %arg0 : i32
  }
}

</mosaic_0001>

<sc_bundles>
// kernel: kernel.4.cloned.1.call-start
scs
__scs_entry_jumppad:
0x0: {  	(pc) =	sbr.rel $0x88, $3  }
0x1: {  	(tag) =	ssettag $0x0;
	lr =	simm.s32 $0x1  }
0x2: {  	[smem:$0x3F9E] =	sst lr;
	_ =	strace $0xD0000000  }
0x3: {  	_ = 	snop  }
0x4: {  	_ = 	snop  }
0x5: {  	_ = 	snop  }
0x6: {  	_ = 	snop  }
0x7: {  	_ = 	snop  }
__scs_overlays_trampoline_lowered:
0x8: {  	[smem:$0x3FAD] =	sst s0  }
0x9: {  	[smem:$0x3FAE] =	sst s1  }
0xa: {  	[smem:$0x3FAF] =	sst s2  }
0xb: {  	[smem:$0x3FB0] =	sst s3  }
0xc: {  	[smem:$0x3FB1] =	sst s4  }
0xd: {  	[smem:$0x3FB2] =	sst s5  }
0xe: {  	[smem:$0x3FB3] =	sst s6  }
0xf: {  	[smem:$0x3FB4] =	sst s7  }
0x10: {  	[smem:$0x3FB5] =	sst s8  }
0x11: {  	[smem:$0x3FB6] =	sst s9;
	s0 =	simm.s32 @!p0 $0x0  }
0x12: {  	s1 =	sld [smem:$0x3F9C];
	s0 =	simm.s32 @p0 $0x1  }
0x13: {  	[smem:$0x3FB7] =	sst s0;
	s0 =	simm.s32 @!p1 $0x0  }
0x14: {  	s2 =	sld [smem:$0x3F9B];
	s0 =	simm.s32 @p1 $0x1  }
0x15: {  	[smem:$0x3FB8] =	sst s0;
	s0 =	simm.s32 @!p2 $0x0  }
0x16: {  	s3 =	sld [smem:$0x3FDB];
	s0 =	simm.s32 @p2 $0x1  }
0x17: {  	s4 =	simm.s32 $0x1BF5;
	[smem:$0x3FBA] =	sst s0  }
0x18: {  	s0 =	sld [smem:$0x3F9D];
	_ =	swait.ge [sflag:s4], $0x0  }
0x19: {  	s7 =	sld [smem:$0x3F9E]  }
0x1a: {  	s8 =	sadd.s32 $0xFFFFE003, lr  }
0x1b: {  	s9 =	sadd.s32 $0xFFFFFEF7, lr;
	s5 =	simm.s32 $0xFFFFFFFF;
	p2 =	slt.u32 s8, $0xFFFFF086  }
0x1c: {  	p1 =	slt.u32 s9, $0xF7A;
	s5 =	simm.s32 @!p2 $0x0  }
0x1d: {  	s5 =	simm.s32 @p1 $0x1;
	p0 =	seq.s32 s7, s2  }
0x1e: {  	s7 =	smul.u32 @!p0 $0xF7A, s2;
	p2 =	seq.s32 @!p0 s5, $0x0  }
0x1f: {  	s9 =	smul.u32 $0xF7A, s1;
	s8 =	simm.s32 @!p0 $0x1BF5;
	p2 =	por !p2, p0  }
0x20: {  	[sflag:s8] =	ssyncset.s32 @!p0 $0xFFFFF086;
	s6 =	sadd.s32 @!p0 s3, s7;
	s7 =	simm.s32 @!p0 $0x108  }
0x21: {  	s3 =	sadd.s32 s3, s9;
	s6 =	sadd.s32 @!p0 $0x88, s6;
	s7 =	simm.s32 @p2 $0x1082  }
0x22: {  	[simem:s7], [sflag:s8] =	dma.local @!p0 [hbm:s6], $0xF7A  }
0x23: {  	s9 =	sor.u32 $0xD0000000, s2;
	s6 =	simm.s32 $0x108;
	_ =	swait.ge @!p0 [sflag:s8], $0x0  }
0x24: {  	s3 =	sadd.s32 $0x88, s3;
	s6 =	simm.s32 @!p1 $0x1082;
	[sflag:s4] =	ssyncset.s32 $0xFFFFF086  }
0x25: {  	[simem:s6], [sflag:s4] =	dma.local [hbm:s3], $0xF7A  }
0x26: {  	[smem:$0x3F9E] =	sst s1;
	(tag) =	ssettag s2;
	_ =	strace s9  }
0x27: {  	s1 =	sld [smem:$0x3FAE]  }
0x28: {  	s2 =	sld [smem:$0x3FAF]  }
0x29: {  	s4 =	sld [smem:$0x3FB1]  }
0x2a: {  	p0 =	seq.s32 s5, $0x0;
	s5 =	sld [smem:$0x3FB2]  }
0x2b: {  	s6 =	sld [smem:$0x3FB3]  }
0x2c: {  	s7 =	sld [smem:$0x3FB4]  }
0x2d: {  	s3 =	simm.s32 $0x108;
	s8 =	sld [smem:$0x3FB5]  }
0x2e: {  	s3 =	simm.s32 @!p0 $0x1082;
	s9 =	sld [smem:$0x3FB6]  }
0x2f: {  	lr =	sadd.s32 s0, s3;
	s0 =	sld [smem:$0x3FAD]  }
0x30: {  	s3 =	sld [smem:$0x3FB0]  }
0x31: {  	[smem:$0x3FB9] =	sst s10  }
0x32: {  	s10 =	sld [smem:$0x3FB7];
	_ =	sdelay $0x3  }
0x33: {  	p0 =	seq.s32 s10, $0x1;
	s10 =	sld [smem:$0x3FB9];
	_ =	sdelay $0x3  }
0x34: {  	[smem:$0x3FB9] =	sst s10  }
0x35: {  	s10 =	sld [smem:$0x3FB8];
	_ =	sdelay $0x3  }
0x36: {  	p1 =	seq.s32 s10, $0x1;
	s10 =	sld [smem:$0x3FB9];
	_ =	sdelay $0x3  }
0x37: {  	[smem:$0x3FB9] =	sst s10  }
0x38: {  	s10 =	sld [smem:$0x3FBA]  }
0x39: {  	_ = 	snop;
	(pc) =	sbr.ind lr, $3  }
0x3a: {  	_ = 	snop  }
0x3b: {  	_ = 	snop  }
0x3c: {  	p2 =	seq.s32 s10, $0x1;
	s10 =	sld [smem:$0x3FB9]  }
0x3d: {  	_ =	shalt  }
0x3e: {  	_ =	shalt  }
0x3f: {  	_ =	shalt  }
0x40: {  	_ =	shalt  }
0x41: {  	_ =	shalt  }
0x42: {  	_ =	shalt  }
0x43: {  	_ =	shalt  }
0x44: {  	_ =	shalt  }
0x45: {  	_ =	shalt  }
0x46: {  	_ =	shalt  }
0x47: {  	_ =	shalt  }
0x48: {  	_ =	shalt  }
0x49: {  	_ =	shalt  }
0x4a: {  	_ =	shalt  }
0x4b: {  	_ =	shalt  }
0x4c: {  	_ =	shalt  }
0x4d: {  	_ =	shalt  }
0x4e: {  	_ =	shalt  }
0x4f: {  	_ =	shalt  }
0x50: {  	_ =	shalt  }
0x51: {  	_ =	shalt  }
0x52: {  	_ =	shalt  }
0x53: {  	_ =	shalt  }
0x54: {  	_ =	shalt  }
0x55: {  	_ =	shalt  }
0x56: {  	_ =	shalt  }
0x57: {  	_ =	shalt  }
0x58: {  	_ =	shalt  }
0x59: {  	_ =	shalt  }
0x5a: {  	_ =	shalt  }
0x5b: {  	_ =	shalt  }
0x5c: {  	_ =	shalt  }
0x5d: {  	_ =	shalt  }
0x5e: {  	_ =	shalt  }
0x5f: {  	_ =	shalt  }
0x60: {  	_ =	shalt  }
0x61: {  	_ =	shalt  }
0x62: {  	_ =	shalt  }
0x63: {  	_ =	shalt  }
0x64: {  	_ =	shalt  }
0x65: {  	_ =	shalt  }
0x66: {  	_ =	shalt  }
0x67: {  	_ =	shalt  }
0x68: {  	_ =	shalt  }
0x69: {  	_ =	shalt  }
0x6a: {  	_ =	shalt  }
0x6b: {  	_ =	shalt  }
0x6c: {  	_ =	shalt  }
0x6d: {  	_ =	shalt  }
0x6e: {  	_ =	shalt  }
0x6f: {  	_ =	shalt  }
0x70: {  	_ =	shalt  }
0x71: {  	_ =	shalt  }
0x72: {  	_ =	shalt  }
0x73: {  	_ =	shalt  }
0x74: {  	_ =	shalt  }
0x75: {  	_ =	shalt  }
0x76: {  	_ =	shalt  }
0x77: {  	_ =	shalt  }
0x78: {  	_ =	shalt  }
0x79: {  	_ =	shalt  }
0x7a: {  	_ =	shalt  }
0x7b: {  	_ =	shalt  }
0x7c: {  	_ =	shalt  }
0x7d: {  	_ =	shalt  }
0x7e: {  	_ =	shalt  }
0x7f: {  	_ =	shalt  }
0x80: {  	_ =	shalt  }
0x81: {  	_ =	shalt  }
0x82: {  	_ =	shalt  }
0x83: {  	_ =	shalt  }
0x84: {  	_ =	shalt  }
0x85: {  	_ =	shalt  }
0x86: {  	_ =	shalt  }
0x87: {  	_ =	shalt  }
.Lfunc_end0:
.L_simem_size_0:
called_computation_lowered:
.L_overlay_start_0:
0x88: {  	s2 =	sld [smem:$0x3FD9]  }
0x89: {  	s3 =	sld [smem:$0x3FFE];
	_ =	sdelay $0x1  }
0x8a: {  	s1 =	srdreg.scid  }
0x8b: {  	s0 =	sand.u32 $0x1, s1  }
0x8c: {  	s17 =	sshll.u32 s0, $0xA;
	s2 =	sadd.s32 s3, s2  }
0x8d: {  	s2 =	sadd.s32 s2, s17  }
0x8e: {  	[smem:$0x3FC5] =	sst s2  }
0x8f: {  	_ = 	snop  }
0x90: {  	s2 =	sld [smem:$0x3FD0];
	(tm) =	ssettm $0x1  }
0x91: {  	s18 =	sld [smem:$0x3FFB];
	_ =	sdelay $0x3  }
0x92: {  	_ =	strace s18  }
0x93: {  	s3 =	sld [smem:$0x3FFC];
	_ =	sdelay $0x3  }
0x94: {  	_ =	strace s3  }
0x95: {  	s3 =	sld [smem:$0x3FFD];
	_ =	sdelay $0x3  }
0x96: {  	_ =	strace s3  }
0x97: {  	_ =	strace $0x8FFFFFFF  }
0x98: {  	s19 =	sld [smem:$0x3FDB];
	_ =	sdelay $0x1  }
0x99: {  	s4 =	simm.s32 $_scs_section_size  }
0x9a: {  	s5 =	simm.s32 $_size__tile_overlayer_lowered;
	s6 =	simm.s32 $_tile_overlayer_lowered  }
0x9b: {  	s22 =	simm.s32 $0x1BFF;
	s21 =	sshll.u32 s6, $0x1;
	s3 =	sadd.s32 s4, s19  }
0x9c: {  	s7 =	simm.s32 $0x0;
	s20 =	sshll.u32 s5, $0x1;
	s5 =	sadd.s32 s21, s3  }
0x9d: {  	[timem:s7], [sflag:s22] =	dma.local [hbm:s5], s20  }
0x9e: {  	_ =	swait.ge [sflag:s22], s20  }
0x9f: {  	s4 =	ssub.s32 $0x0, s20;
	[sflag:s22] =	ssyncset.done $0x0  }
0xa0: {  	[sflag:s22] =	ssyncadd.s32 s4;
	_ =	sdelay $0x1  }
0xa1: {  	s23 =	simm.s32 $0x1B8B  }
0xa2: {  	_ =	swait.ge [sflag:s23], $0x1  }
0xa3: {  	[sflag:s23] =	ssyncset.done $0x0  }
0xa4: {  	s25 =	simm.s32 $0x1B8E;
	s24 =	sld [smem:$0x3FFE];
	[sflag:s23] =	ssyncadd.s32 $0xFFFFFFFF  }
0xa5: {  	s26 =	simm.s32 $execute0_lowered;
	[smem:$0x3FD2] =	sst s25  }
0xa6: {  	s5 =	sshll.u32 s26, $0x1;
	_ =	strace $0x80000046;
	[dreg:$0x1] =	wrdreg $0xFFFFFFFF  }
0xa7: {  	s28 =	simm.s32 $_size_execute0_lowered;
	s3 =	sadd.s32 s3, s5;
	[dreg:$0x0] =	wrdreg $0x0  }
0xa8: {  	s5 =	sshll.u32 s28, $0x1;
	[dreg:$0x2] =	wrdreg s3  }
0xa9: {  	[dreg:$0x3] =	wrdreg s5  }
0xaa: {  	[dreg:$0x4] =	wrdreg $0xC0  }
0xab: {  	_ =	task [dreg:s7], $0x5FFFF  }
0xac: {  	[dreg:$0x1] =	wrdreg $0xFFFFFFFF  }
0xad: {  	[dreg:$0x0] =	wrdreg $0x60  }
0xae: {  	[dreg:$0x2] =	wrdreg s24  }
0xaf: {  	[dreg:$0x3] =	wrdreg s2  }
0xb0: {  	[dreg:$0x4] =	wrdreg $0x9  }
0xb1: {  	_ =	task.clear_ibuf [dreg:s7], $0x5FFFF;
	_ =	strace $0x90000046  }
0xb2: {  	s29 =	simm.s32 $0x9;
	_ =	strace $0x80000048  }
0xb3: {  	_ =	swait.ge [sflag:s29], $0x1  }
0xb4: {  	[sflag:s29] =	ssyncadd.s32 $0xFFFFFFFF  }
0xb5: {  	_ =	strace $0x90000048  }
0xb6: {  	_ =	sfence  }
0xb7: {  	s30 =	sld [smem:$0x0];
	_ =	sdelay $0x2  }
0xb8: {  	s31 =	sshll.u32 s1, $0xD;
	s1 =	sshrl.u32 s1, $0x2  }
0xb9: {  	s3 =	sand.u32 $0x4000, s31;
	s1 =	sadd.s32 s1, s30  }
0xba: {  	s0 =	sor.u32 s3, s0;
	s1 =	sshll.u32 s1, $0x11  }
0xbb: {  	s0 =	sor.u32 s1, s0  }
0xbc: {  	s0 =	sadd.s32 $0x8F2B, s0  }
0xbd: {  	[sflag:s0] =	ssyncadd.remote.s32 $0x1  }
0xbe: {  	_ =	sfence.sel $0xFFFF  }
0xbf: {  	[dreg:$0x0] =	wrdreg $0xFFFFFFFF;
	(pc) =	sbr.abs _section_cstart, $3  }
0xc0: {  	[dreg:$0x1] =	wrdreg $0xFFFFFFFF  }
0xc1: {  	_ =	task.clear_ibuf [dreg:s7], $0x2FFFF;
	_ =	strace $0x9FFFFFFF  }
0xc2: {  	(tm) =	ssettm $0x7FFFFFFF  }
0xc3: {  	_ =	shalt  }
tec
execute0_lowered:
.L_overlay_start_1:
0x0: {  	(tag) =	ssettag $0x1  }
0x1: {  	s1 =	srdreg.scid;
	s0 =	stileid.u32  }
0x2: {  	s22 =	sand.u32 $0x1, s1;
	s30 =	sshll.u32 s0, $0x1  }
0x3: {  	s8 =	rddreg [dreg:$0x0];
	s1 =	sor.u32 s22, s30  }
0x4: {  	s21 =	rddreg [dreg:$0x1];
	s2 =	simm.s32 $0x0;
	s3 =	smul.u32 $0x19000, s1  }
0x5: {  	[smem:$0x7FF] =	sst s2  }
0x6: {  	s1 =	rddreg [dreg:$0x2];
	s24 =	sshrl.u32 s3, $0x3  }
0x7: {  	_ =	strace $0x80000047;
	s3 =	simm.s32 $0x2;
	s4 =	sadd.s32 s21, s24  }
0x8: {  	[tilespmem:s2], [sflag:$0x2] =	stream.linear.gather [hbm4b:s4+s2], $0x3200, $0x38;
	[tilespmem:$0x6400] =	vst v63  }
0x9: {  	_ =	swait.ge [sflag:s3], $0x3200  }
0xa: {  	s6 =	simm.s32 $0x3200;
	[sflag:s3] =	ssyncset.done $0x0  }
0xb: {  	s7 =	simm.s32 $0x1;
	s5 =	sadd.s32 $0x600, s8;
	[sflag:s3] =	ssyncadd.s32 $0xFFFFCE00  }
0xc: {  	[tilespmem:s6], [sflag:$0x1] =	stream.indirect.gather [hbm4b:s5+s6], $0x1, s2, s6, $0xb8;
	[tilespmem:$0x6400] =	vst v63  }
0xd: {  	_ =	swait.ge [sflag:s7], $0x3200  }
0xe: {  	s23 =	sadd.s32 $0x1F600, s8;
	[sflag:s7] =	ssyncset.done $0x0  }
0xf: {  	s8 =	sadd.s32 s23, s24;
	[sflag:s7] =	ssyncadd.s32 $0xFFFFCE00  }
0x10: {  	[hbm4b:s8+s2] =	stream.linear.scatter [tilespmem:s6], [sflag:$0x2], $0x3200, $0x38;
	[tilespmem:$0x6400] =	vst v63  }
0x11: {  	_ =	swait.ge [sflag:s3], $0x3200  }
0x12: {  	s10 =	sadd.s32 $0x640, s24;
	[sflag:s3] =	ssyncset.done $0x0  }
0x13: {  	s9 =	sadd.s32 s21, s10;
	[sflag:s3] =	ssyncadd.s32 $0xFFFFCE00  }
0x14: {  	[tilespmem:s2], [sflag:$0x2] =	stream.linear.gather [hbm4b:s9+s2], $0x3200, $0x38;
	[tilespmem:$0x6400] =	vst v63  }
0x15: {  	_ =	swait.ge [sflag:s3], $0x3200  }
0x16: {  	[sflag:s3] =	ssyncset.done $0x0  }
0x17: {  	[sflag:s3] =	ssyncadd.s32 $0xFFFFCE00  }
0x18: {  	[tilespmem:s6], [sflag:$0x1] =	stream.indirect.gather [hbm4b:s5+s6], $0x1, s2, s6, $0xb8;
	[tilespmem:$0x6400] =	vst v63  }
0x19: {  	_ =	swait.ge [sflag:s7], $0x3200  }
0x1a: {  	[sflag:s7] =	ssyncset.done $0x0  }
0x1b: {  	s10 =	sadd.s32 s23, s10;
	[sflag:s7] =	ssyncadd.s32 $0xFFFFCE00  }
0x1c: {  	[hbm4b:s10+s2] =	stream.linear.scatter [tilespmem:s6], [sflag:$0x2], $0x3200, $0x38;
	[tilespmem:$0x6400] =	vst v63  }
0x1d: {  	_ =	swait.ge [sflag:s3], $0x3200  }
0x1e: {  	s12 =	sadd.s32 $0xC80, s24;
	[sflag:s3] =	ssyncset.done $0x0  }
0x1f: {  	s11 =	sadd.s32 s21, s12;
	[sflag:s3] =	ssyncadd.s32 $0xFFFFCE00  }
0x20: {  	[tilespmem:s2], [sflag:$0x2] =	stream.linear.gather [hbm4b:s11+s2], $0x3200, $0x38;
	[tilespmem:$0x6400] =	vst v63  }
0x21: {  	_ =	swait.ge [sflag:s3], $0x3200  }
0x22: {  	[sflag:s3] =	ssyncset.done $0x0  }
0x23: {  	[sflag:s3] =	ssyncadd.s32 $0xFFFFCE00  }
0x24: {  	[tilespmem:s6], [sflag:$0x1] =	stream.indirect.gather [hbm4b:s5+s6], $0x1, s2, s6, $0xb8;
	[tilespmem:$0x6400] =	vst v63  }
0x25: {  	_ =	swait.ge [sflag:s7], $0x3200  }
0x26: {  	[sflag:s7] =	ssyncset.done $0x0  }
0x27: {  	s12 =	sadd.s32 s23, s12;
	[sflag:s7] =	ssyncadd.s32 $0xFFFFCE00  }
0x28: {  	[hbm4b:s12+s2] =	stream.linear.scatter [tilespmem:s6], [sflag:$0x2], $0x3200, $0x38;
	[tilespmem:$0x6400] =	vst v63  }
0x29: {  	_ =	swait.ge [sflag:s3], $0x3200  }
0x2a: {  	s14 =	sadd.s32 $0x12C0, s24;
	[sflag:s3] =	ssyncset.done $0x0  }
0x2b: {  	s13 =	sadd.s32 s21, s14;
	[sflag:s3] =	ssyncadd.s32 $0xFFFFCE00  }
0x2c: {  	[tilespmem:s2], [sflag:$0x2] =	stream.linear.gather [hbm4b:s13+s2], $0x3200, $0x38;
	[tilespmem:$0x6400] =	vst v63  }
0x2d: {  	_ =	swait.ge [sflag:s3], $0x3200  }
0x2e: {  	[sflag:s3] =	ssyncset.done $0x0  }
0x2f: {  	[sflag:s3] =	ssyncadd.s32 $0xFFFFCE00  }
0x30: {  	[tilespmem:s6], [sflag:$0x1] =	stream.indirect.gather [hbm4b:s5+s6], $0x1, s2, s6, $0xb8;
	[tilespmem:$0x6400] =	vst v63  }
0x31: {  	_ =	swait.ge [sflag:s7], $0x3200  }
0x32: {  	[sflag:s7] =	ssyncset.done $0x0  }
0x33: {  	s14 =	sadd.s32 s23, s14;
	[sflag:s7] =	ssyncadd.s32 $0xFFFFCE00  }
0x34: {  	[hbm4b:s14+s2] =	stream.linear.scatter [tilespmem:s6], [sflag:$0x2], $0x3200, $0x38;
	[tilespmem:$0x6400] =	vst v63  }
0x35: {  	_ =	swait.ge [sflag:s3], $0x3200  }
0x36: {  	s16 =	sadd.s32 $0x1900, s24;
	[sflag:s3] =	ssyncset.done $0x0  }
0x37: {  	s15 =	sadd.s32 s21, s16;
	[sflag:s3] =	ssyncadd.s32 $0xFFFFCE00  }
0x38: {  	[tilespmem:s2], [sflag:$0x2] =	stream.linear.gather [hbm4b:s15+s2], $0x3200, $0x38;
	[tilespmem:$0x6400] =	vst v63  }
0x39: {  	_ =	swait.ge [sflag:s3], $0x3200  }
0x3a: {  	[sflag:s3] =	ssyncset.done $0x0  }
0x3b: {  	[sflag:s3] =	ssyncadd.s32 $0xFFFFCE00  }
0x3c: {  	[tilespmem:s6], [sflag:$0x1] =	stream.indirect.gather [hbm4b:s5+s6], $0x1, s2, s6, $0xb8;
	[tilespmem:$0x6400] =	vst v63  }
0x3d: {  	_ =	swait.ge [sflag:s7], $0x3200  }
0x3e: {  	[sflag:s7] =	ssyncset.done $0x0  }
0x3f: {  	s16 =	sadd.s32 s23, s16;
	[sflag:s7] =	ssyncadd.s32 $0xFFFFCE00  }
0x40: {  	[hbm4b:s16+s2] =	stream.linear.scatter [tilespmem:s6], [sflag:$0x2], $0x3200, $0x38;
	[tilespmem:$0x6400] =	vst v63  }
0x41: {  	_ =	swait.ge [sflag:s3], $0x3200  }
0x42: {  	s18 =	sadd.s32 $0x1F40, s24;
	[sflag:s3] =	ssyncset.done $0x0  }
0x43: {  	s17 =	sadd.s32 s21, s18;
	[sflag:s3] =	ssyncadd.s32 $0xFFFFCE00  }
0x44: {  	[tilespmem:s2], [sflag:$0x2] =	stream.linear.gather [hbm4b:s17+s2], $0x3200, $0x38;
	[tilespmem:$0x6400] =	vst v63  }
0x45: {  	_ =	swait.ge [sflag:s3], $0x3200  }
0x46: {  	[sflag:s3] =	ssyncset.done $0x0  }
0x47: {  	[sflag:s3] =	ssyncadd.s32 $0xFFFFCE00  }
0x48: {  	[tilespmem:s6], [sflag:$0x1] =	stream.indirect.gather [hbm4b:s5+s6], $0x1, s2, s6, $0xb8;
	[tilespmem:$0x6400] =	vst v63  }
0x49: {  	_ =	swait.ge [sflag:s7], $0x3200  }
0x4a: {  	[sflag:s7] =	ssyncset.done $0x0  }
0x4b: {  	s18 =	sadd.s32 s23, s18;
	[sflag:s7] =	ssyncadd.s32 $0xFFFFCE00  }
0x4c: {  	[hbm4b:s18+s2] =	stream.linear.scatter [tilespmem:s6], [sflag:$0x2], $0x3200, $0x38;
	[tilespmem:$0x6400] =	vst v63  }
0x4d: {  	_ =	swait.ge [sflag:s3], $0x3200  }
0x4e: {  	s20 =	sadd.s32 $0x2580, s24;
	[sflag:s3] =	ssyncset.done $0x0  }
0x4f: {  	s19 =	sadd.s32 s21, s20;
	[sflag:s3] =	ssyncadd.s32 $0xFFFFCE00  }
0x50: {  	[tilespmem:s2], [sflag:$0x2] =	stream.linear.gather [hbm4b:s19+s2], $0x3200, $0x38;
	[tilespmem:$0x6400] =	vst v63  }
0x51: {  	_ =	swait.ge [sflag:s3], $0x3200  }
0x52: {  	[sflag:s3] =	ssyncset.done $0x0  }
0x53: {  	[sflag:s3] =	ssyncadd.s32 $0xFFFFCE00  }
0x54: {  	[tilespmem:s6], [sflag:$0x1] =	stream.indirect.gather [hbm4b:s5+s6], $0x1, s2, s6, $0xb8;
	[tilespmem:$0x6400] =	vst v63  }
0x55: {  	_ =	swait.ge [sflag:s7], $0x3200  }
0x56: {  	[sflag:s7] =	ssyncset.done $0x0  }
0x57: {  	s20 =	sadd.s32 s23, s20;
	[sflag:s7] =	ssyncadd.s32 $0xFFFFCE00  }
0x58: {  	[hbm4b:s20+s2] =	stream.linear.scatter [tilespmem:s6], [sflag:$0x2], $0x3200, $0x38;
	[tilespmem:$0x6400] =	vst v63  }
0x59: {  	_ =	swait.ge [sflag:s3], $0x3200  }
0x5a: {  	s24 =	sadd.s32 $0x2BC0, s24;
	[sflag:s3] =	ssyncset.done $0x0  }
0x5b: {  	s22 =	ssub.s32 $0x2, s22;
	s21 =	sadd.s32 s21, s24;
	[sflag:s3] =	ssyncadd.s32 $0xFFFFCE00  }
0x5c: {  	[tilespmem:s2], [sflag:$0x2] =	stream.linear.gather [hbm4b:s21+s2], $0x3200, $0x38;
	[tilespmem:$0x6400] =	vst v63  }
0x5d: {  	s25 =	sshrl.u32 s22, $0x1;
	_ =	swait.ge [sflag:s3], $0x3200  }
0x5e: {  	s25 =	ssub.s32 s22, s25;
	[sflag:s3] =	ssyncset.done $0x0  }
0x5f: {  	s31 =	smax.u32 s25, $0x1;
	[sflag:s3] =	ssyncadd.s32 $0xFFFFCE00  }
0x60: {  	[tilespmem:s6], [sflag:$0x1] =	stream.indirect.gather [hbm4b:s5+s6], $0x1, s2, s6, $0xb8;
	[tilespmem:$0x6400] =	vst v63  }
0x61: {  	p0 =	sne.s32 s31, $0x1;
	_ =	swait.ge [sflag:s7], $0x3200  }
.Ltmp0:
0x62: {  	[sflag:s7] =	ssyncset.done $0x0;
	(pc) =	sbr.rel @!p0 .LBB2_2-.Ltmp0, $4  }
0x63: {  	s22 =	sadd.s32 s23, s24;
	[sflag:s7] =	ssyncadd.s32 $0xFFFFCE00  }
0x64: {  	[hbm4b:s22+s2] =	stream.linear.scatter [tilespmem:s6], [sflag:$0x2], $0x3200, $0x38;
	[tilespmem:$0x6400] =	vst v63  }
0x65: {  	_ =	swait.ge [sflag:s3], $0x3200  }
0x66: {  	s23 =	sadd.s32 $0xFFFFFFFF, s31;
	[sflag:s3] =	ssyncset.done $0x0  }
.LBB2_1:
0x67: {  	p0 =	sne.s32 s23, $0x1;
	s23 =	sadd.s32 $0xFFFFFFFF, s23;
	[sflag:s3] =	ssyncadd.s32 $0xFFFFCE00  }
0x68: {  	[tilespmem:s2], [sflag:$0x2] =	stream.linear.gather [hbm4b:s4+s2], $0x3200, $0x38;
	[tilespmem:$0x6400] =	vst v63  }
0x69: {  	_ =	swait.ge [sflag:s3], $0x3200  }
0x6a: {  	[sflag:s3] =	ssyncset.done $0x0  }
0x6b: {  	[sflag:s3] =	ssyncadd.s32 $0xFFFFCE00  }
0x6c: {  	[tilespmem:s6], [sflag:$0x1] =	stream.indirect.gather [hbm4b:s5+s6], $0x1, s2, s6, $0xb8;
	[tilespmem:$0x6400] =	vst v63  }
0x6d: {  	_ =	swait.ge [sflag:s7], $0x3200  }
0x6e: {  	[sflag:s7] =	ssyncset.done $0x0  }
0x6f: {  	[sflag:s7] =	ssyncadd.s32 $0xFFFFCE00  }
0x70: {  	[hbm4b:s8+s2] =	stream.linear.scatter [tilespmem:s6], [sflag:$0x2], $0x3200, $0x38;
	[tilespmem:$0x6400] =	vst v63  }
0x71: {  	_ =	swait.ge [sflag:s3], $0x3200  }
0x72: {  	[sflag:s3] =	ssyncset.done $0x0  }
0x73: {  	[sflag:s3] =	ssyncadd.s32 $0xFFFFCE00  }
0x74: {  	[tilespmem:s2], [sflag:$0x2] =	stream.linear.gather [hbm4b:s9+s2], $0x3200, $0x38;
	[tilespmem:$0x6400] =	vst v63  }
0x75: {  	_ =	swait.ge [sflag:s3], $0x3200  }
0x76: {  	[sflag:s3] =	ssyncset.done $0x0  }
0x77: {  	[sflag:s3] =	ssyncadd.s32 $0xFFFFCE00  }
0x78: {  	[tilespmem:s6], [sflag:$0x1] =	stream.indirect.gather [hbm4b:s5+s6], $0x1, s2, s6, $0xb8;
	[tilespmem:$0x6400] =	vst v63  }
0x79: {  	_ =	swait.ge [sflag:s7], $0x3200  }
0x7a: {  	[sflag:s7] =	ssyncset.done $0x0  }
0x7b: {  	[sflag:s7] =	ssyncadd.s32 $0xFFFFCE00  }
0x7c: {  	[hbm4b:s10+s2] =	stream.linear.scatter [tilespmem:s6], [sflag:$0x2], $0x3200, $0x38;
	[tilespmem:$0x6400] =	vst v63  }
0x7d: {  	_ =	swait.ge [sflag:s3], $0x3200  }
0x7e: {  	[sflag:s3] =	ssyncset.done $0x0  }
0x7f: {  	[sflag:s3] =	ssyncadd.s32 $0xFFFFCE00  }
0x80: {  	[tilespmem:s2], [sflag:$0x2] =	stream.linear.gather [hbm4b:s11+s2], $0x3200, $0x38;
	[tilespmem:$0x6400] =	vst v63  }
0x81: {  	_ =	swait.ge [sflag:s3], $0x3200  }
0x82: {  	[sflag:s3] =	ssyncset.done $0x0  }
0x83: {  	[sflag:s3] =	ssyncadd.s32 $0xFFFFCE00  }
0x84: {  	[tilespmem:s6], [sflag:$0x1] =	stream.indirect.gather [hbm4b:s5+s6], $0x1, s2, s6, $0xb8;
	[tilespmem:$0x6400] =	vst v63  }
0x85: {  	_ =	swait.ge [sflag:s7], $0x3200  }
0x86: {  	[sflag:s7] =	ssyncset.done $0x0  }
0x87: {  	[sflag:s7] =	ssyncadd.s32 $0xFFFFCE00  }
0x88: {  	[hbm4b:s12+s2] =	stream.linear.scatter [tilespmem:s6], [sflag:$0x2], $0x3200, $0x38;
	[tilespmem:$0x6400] =	vst v63  }
0x89: {  	_ =	swait.ge [sflag:s3], $0x3200  }
0x8a: {  	[sflag:s3] =	ssyncset.done $0x0  }
0x8b: {  	[sflag:s3] =	ssyncadd.s32 $0xFFFFCE00  }
0x8c: {  	[tilespmem:s2], [sflag:$0x2] =	stream.linear.gather [hbm4b:s13+s2], $0x3200, $0x38;
	[tilespmem:$0x6400] =	vst v63  }
0x8d: {  	_ =	swait.ge [sflag:s3], $0x3200  }
0x8e: {  	[sflag:s3] =	ssyncset.done $0x0  }
0x8f: {  	[sflag:s3] =	ssyncadd.s32 $0xFFFFCE00  }
0x90: {  	[tilespmem:s6], [sflag:$0x1] =	stream.indirect.gather [hbm4b:s5+s6], $0x1, s2, s6, $0xb8;
	[tilespmem:$0x6400] =	vst v63  }
0x91: {  	_ =	swait.ge [sflag:s7], $0x3200  }
0x92: {  	[sflag:s7] =	ssyncset.done $0x0  }
0x93: {  	[sflag:s7] =	ssyncadd.s32 $0xFFFFCE00  }
0x94: {  	[hbm4b:s14+s2] =	stream.linear.scatter [tilespmem:s6], [sflag:$0x2], $0x3200, $0x38;
	[tilespmem:$0x6400] =	vst v63  }
0x95: {  	_ =	swait.ge [sflag:s3], $0x3200  }
0x96: {  	[sflag:s3] =	ssyncset.done $0x0  }
0x97: {  	[sflag:s3] =	ssyncadd.s32 $0xFFFFCE00  }
0x98: {  	[tilespmem:s2], [sflag:$0x2] =	stream.linear.gather [hbm4b:s15+s2], $0x3200, $0x38;
	[tilespmem:$0x6400] =	vst v63  }
0x99: {  	_ =	swait.ge [sflag:s3], $0x3200  }
0x9a: {  	[sflag:s3] =	ssyncset.done $0x0  }
0x9b: {  	[sflag:s3] =	ssyncadd.s32 $0xFFFFCE00  }
0x9c: {  	[tilespmem:s6], [sflag:$0x1] =	stream.indirect.gather [hbm4b:s5+s6], $0x1, s2, s6, $0xb8;
	[tilespmem:$0x6400] =	vst v63  }
0x9d: {  	_ =	swait.ge [sflag:s7], $0x3200  }
0x9e: {  	[sflag:s7] =	ssyncset.done $0x0  }
0x9f: {  	[sflag:s7] =	ssyncadd.s32 $0xFFFFCE00  }
0xa0: {  	[hbm4b:s16+s2] =	stream.linear.scatter [tilespmem:s6], [sflag:$0x2], $0x3200, $0x38;
	[tilespmem:$0x6400] =	vst v63  }
0xa1: {  	_ =	swait.ge [sflag:s3], $0x3200  }
0xa2: {  	[sflag:s3] =	ssyncset.done $0x0  }
0xa3: {  	[sflag:s3] =	ssyncadd.s32 $0xFFFFCE00  }
0xa4: {  	[tilespmem:s2], [sflag:$0x2] =	stream.linear.gather [hbm4b:s17+s2], $0x3200, $0x38;
	[tilespmem:$0x6400] =	vst v63  }
0xa5: {  	_ =	swait.ge [sflag:s3], $0x3200  }
0xa6: {  	[sflag:s3] =	ssyncset.done $0x0  }
0xa7: {  	[sflag:s3] =	ssyncadd.s32 $0xFFFFCE00  }
0xa8: {  	[tilespmem:s6], [sflag:$0x1] =	stream.indirect.gather [hbm4b:s5+s6], $0x1, s2, s6, $0xb8;
	[tilespmem:$0x6400] =	vst v63  }
0xa9: {  	_ =	swait.ge [sflag:s7], $0x3200  }
0xaa: {  	[sflag:s7] =	ssyncset.done $0x0  }
0xab: {  	[sflag:s7] =	ssyncadd.s32 $0xFFFFCE00  }
0xac: {  	[hbm4b:s18+s2] =	stream.linear.scatter [tilespmem:s6], [sflag:$0x2], $0x3200, $0x38;
	[tilespmem:$0x6400] =	vst v63  }
0xad: {  	_ =	swait.ge [sflag:s3], $0x3200  }
0xae: {  	[sflag:s3] =	ssyncset.done $0x0  }
0xaf: {  	[sflag:s3] =	ssyncadd.s32 $0xFFFFCE00  }
0xb0: {  	[tilespmem:s2], [sflag:$0x2] =	stream.linear.gather [hbm4b:s19+s2], $0x3200, $0x38;
	[tilespmem:$0x6400] =	vst v63  }
0xb1: {  	_ =	swait.ge [sflag:s3], $0x3200  }
0xb2: {  	[sflag:s3] =	ssyncset.done $0x0  }
0xb3: {  	[sflag:s3] =	ssyncadd.s32 $0xFFFFCE00  }
0xb4: {  	[tilespmem:s6], [sflag:$0x1] =	stream.indirect.gather [hbm4b:s5+s6], $0x1, s2, s6, $0xb8;
	[tilespmem:$0x6400] =	vst v63  }
0xb5: {  	_ =	swait.ge [sflag:s7], $0x3200  }
0xb6: {  	[sflag:s7] =	ssyncset.done $0x0  }
0xb7: {  	[sflag:s7] =	ssyncadd.s32 $0xFFFFCE00  }
0xb8: {  	[hbm4b:s20+s2] =	stream.linear.scatter [tilespmem:s6], [sflag:$0x2], $0x3200, $0x38;
	[tilespmem:$0x6400] =	vst v63  }
0xb9: {  	_ =	swait.ge [sflag:s3], $0x3200  }
0xba: {  	[sflag:s3] =	ssyncset.done $0x0  }
0xbb: {  	[sflag:s3] =	ssyncadd.s32 $0xFFFFCE00  }
0xbc: {  	[tilespmem:s2], [sflag:$0x2] =	stream.linear.gather [hbm4b:s21+s2], $0x3200, $0x38;
	[tilespmem:$0x6400] =	vst v63  }
0xbd: {  	_ =	swait.ge [sflag:s3], $0x3200  }
0xbe: {  	[sflag:s3] =	ssyncset.done $0x0  }
0xbf: {  	[sflag:s3] =	ssyncadd.s32 $0xFFFFCE00  }
0xc0: {  	[tilespmem:s6], [sflag:$0x1] =	stream.indirect.gather [hbm4b:s5+s6], $0x1, s2, s6, $0xb8;
	[tilespmem:$0x6400] =	vst v63  }
0xc1: {  	_ =	swait.ge [sflag:s7], $0x3200  }
.Ltmp1:
0xc2: {  	[sflag:s7] =	ssyncset.done $0x0;
	(pc) =	sbr.rel @p0 .LBB2_1-.Ltmp1, $4  }
0xc3: {  	[sflag:s7] =	ssyncadd.s32 $0xFFFFCE00  }
0xc4: {  	[hbm4b:s22+s2] =	stream.linear.scatter [tilespmem:s6], [sflag:$0x2], $0x3200, $0x38;
	[tilespmem:$0x6400] =	vst v63  }
0xc5: {  	_ =	swait.ge [sflag:s3], $0x3200  }
0xc6: {  	[sflag:s3] =	ssyncset.done $0x0  }
.LBB2_2:
0xc7: {  	[sflag:s3] =	ssyncadd.s32 $0xFFFFCE00  }
0xc8: {  	_ =	sfence.sel $0x180000  }
0xc9: {  	[bflag:$0x0] =	sbarrier.arrive $0xFFFF  }
0xca: {  	p0 =	sne.s32 s0, $0x0;
	_ =	strace $0x90000047  }
0xcb: {  	s0 =	sadd.s32 @!p0 $0x100000, s1;
	[bflag:$0x2] =	sbarrier.arrive $0xFFFF  }
0xcc: {  	[sflag:s0] =	ssyncadd.tile.s32 @!p0 $0x1;
	_ =	shalt  }
.Lfunc_end2:
_tile_overlayer_lowered:
.L_overlay_start_2:
0xcd: {  	(tag) =	ssettag $0x2  }
0xce: {  	s0 =	rddreg [dreg:$0x0];
	s2 =	stileid.u32  }
0xcf: {  	s1 =	rddreg [dreg:$0x1];
	p0 =	sne.s32 s2, $0x0  }
0xd0: {  	s3 =	rddreg [dreg:$0x2];
	[bflag:$0x3] =	sbarrier.arrive $0xFFFF;
	s2 =	simm.s32 @!p0 $0x1C02  }
0xd1: {  	[timem:s3], [sflag:s2] =	dma.local @!p0 [hbm:s0], s1  }
0xd2: {  	s0 =	simm.s32 @!p0 $0x2  }
0xd3: {  	_ =	swait.ge @!p0 [sflag:s0], s1  }
0xd4: {  	s1 =	ssub.s32 @!p0 $0x0, s1;
	[sflag:s0] =	ssyncset.done @!p0 $0x0  }
0xd5: {  	[sflag:s0] =	ssyncadd.s32 @!p0 s1  }
0xd6: {  	[bflag:$0x3] =	sbarrier.arrive $0xFFFF  }
0xd7: {  	_ =	shalt  }

</sc_bundles>
